<compile_context>
chip_gen: v7x
topology: tpu7x:2x2x1
jax: 0.10.2.dev20260603
libtpu: 0.0.44.dev20260713+nightly
codegen_flags: <defaults>
</compile_context>

<pallas_src>
import functools

import jax
import jax.numpy as jnp
from jax import lax
from jax.experimental import pallas as pl
from jax.experimental.pallas import tpu as pltpu
from jax.experimental.pallas import tpu_sc as plsc

_NW = 32
_TILE = 32768


def kernel(values, indices):
    n = values.shape[0]
    nfull = n // _TILE
    rem = n - nfull * _TILE
    kmax = (nfull + _NW - 1) // _NW
    mesh = plsc.VectorSubcoreMesh(core_axis_name="c", subcore_axis_name="s")

    @functools.partial(
        pl.kernel,
        mesh=mesh,
        out_type=jax.ShapeDtypeStruct((n,), jnp.float32),
        scratch_types=[
            pltpu.VMEM((_TILE,), jnp.float32),
            pltpu.VMEM((_TILE,), jnp.float32),
            pltpu.VMEM((max(rem, 1),), jnp.float32),
            pltpu.SemaphoreType.DMA,
            pltpu.SemaphoreType.DMA,
            pltpu.SemaphoreType.DMA,
            pltpu.SemaphoreType.DMA,
            pltpu.SemaphoreType.DMA,
        ],
    )
    def sc_copy(v_hbm, o_hbm, b0, b1, tail_buf, r0, r1, w0, w1, tsem):
        cid = lax.axis_index("c")
        sid = lax.axis_index("s")
        wid = sid * 2 + cid

        bufs = (b0, b1)
        rsems = (r0, r1)
        wsems = (w0, w1)

        def rd(k):
            off = (wid + k * _NW) * _TILE
            return pltpu.make_async_copy(
                v_hbm.at[pl.ds(off, _TILE)], bufs[k % 2], rsems[k % 2])

        def wr(k):
            off = (wid + k * _NW) * _TILE
            return pltpu.make_async_copy(
                bufs[k % 2], o_hbm.at[pl.ds(off, _TILE)], wsems[k % 2])

        def valid(k):
            return wid + k * _NW < nfull

        tail_rd = pltpu.make_async_copy(
            v_hbm.at[pl.ds(nfull * _TILE, max(rem, 1))], tail_buf, tsem)
        tail_wr = pltpu.make_async_copy(
            tail_buf, o_hbm.at[pl.ds(nfull * _TILE, max(rem, 1))], tsem)

        if rem:
            @pl.when(wid == _NW - 1)
            def _tail_start():
                tail_rd.start()

        for k in range(min(2, kmax)):
            @pl.when(valid(k))
            def _prime(k=k):
                rd(k).start()

        for k in range(kmax):
            @pl.when(valid(k))
            def _write_cur(k=k):
                rd(k).wait()
                wr(k).start()

            if k + 2 < kmax:
                @pl.when(valid(k + 2))
                def _read_ahead(k=k):
                    wr(k).wait()
                    rd(k + 2).start()

        for k in range(kmax):
            late = valid(k + 2) if k + 2 < kmax else False
            @pl.when(valid(k) & jnp.logical_not(late))
            def _final_wait(k=k):
                wr(k).wait()

        if rem:
            @pl.when(wid == _NW - 1)
            def _tail_finish():
                tail_rd.wait()
                tail_wr.start()
                tail_wr.wait()

    return sc_copy(values)

# --- scband reference (transcript-rebuilt; emitter-appended) ---
"""Pipeline reference for scband-sparse-values-op-73710228734306 (READ-ONLY COPY).

The authoritative reference and input builder live on the scoring server;
editing this copy changes nothing except your own understanding.
"""

import jax, jax.numpy as jnp
import numpy as np

NNZ = 4294967
N = 65536

def setup_inputs(seed: int = 0) -> dict:
    key = jax.random.key(seed)
    k1, k2 = jax.random.split(key)
    values = jax.random.normal(k1, (NNZ,), dtype=jnp.float32)
    indices = jax.random.randint(k2, (2, NNZ), 0, N, dtype=jnp.int64) if jax.config.jax_enable_x64 else jax.random.randint(k2, (2, NNZ), 0, N, dtype=jnp.int32).astype(jnp.int32)
    return {"values": values, "indices": indices}

def reference(values, indices):
    # torch: x.values() on a sparse COO tensor (x represented here as (indices, values)).
    # The op simply returns the values buffer of the sparse tensor; indices are carried
    # alongside but untouched (they define the sparsity structure).
    return values

if __name__ == "__main__":
    import jax
    _d = setup_inputs()
    print(jax.jit(kernel)(*tuple(_d.values())))

</pallas_src>

<mosaic_0001>
#map = affine_map<(d0, d1) -> (0)>
module attributes {stable_mosaic.version = 14 : i64} {
  func.func @sc_copy(%arg0: i32, %arg1: i32, %arg2: memref<4294967xf32, #tpu.memory_space<hbm>>, %arg3: memref<4294967xf32, #tpu.memory_space<hbm>>, %arg4: memref<32768xf32, #tpu.memory_space<vmem>>, %arg5: memref<32768xf32, #tpu.memory_space<vmem>>, %arg6: memref<2359xf32, #tpu.memory_space<vmem>>, %arg7: memref<!tpu.dma_semaphore, #tpu.memory_space<semaphore_mem>>, %arg8: memref<!tpu.dma_semaphore, #tpu.memory_space<semaphore_mem>>, %arg9: memref<!tpu.dma_semaphore, #tpu.memory_space<semaphore_mem>>, %arg10: memref<!tpu.dma_semaphore, #tpu.memory_space<semaphore_mem>>, %arg11: memref<!tpu.dma_semaphore, #tpu.memory_space<semaphore_mem>>) attributes {dimension_semantics = [#tpu.dimension_semantics<core_parallel>, #tpu.dimension_semantics<subcore_parallel>], iteration_bounds = array<i64: 2, 16>, scalar_prefetch = 0 : i64, scratch_operands = 8 : i64, tpu.core_type = #tpu.core_type<sc_vector_subcore>, window_params = [{transform_indices = #map}, {transform_indices = #map}]} {
    %mul3A = arith.constant 2 : i32
    %mul3A_0 = arith.muli %arg1, %mul3A : i32
    %add3A = arith.addi %mul3A_0, %arg0 : i32
    %eq3A = arith.constant 31 : i32
    %eq3A_1 = arith.cmpi eq, %add3A, %eq3A : i32
    %convert_element_type3A = arith.extui %eq3A_1 : i1 to i32
    %cond3A = arith.constant 0 : i32
    %cond3A_2 = arith.cmpi ne, %convert_element_type3A, %cond3A : i32
    scf.if %cond3A_2 {
      %dma_start3A = arith.constant 4292608 : i32
      %dma_start3A_139 = tpu.memref_slice %arg2[%dma_start3A] : memref<4294967xf32, #tpu.memory_space<hbm>> -> memref<2359xf32, #tpu.memory_space<hbm>>
      %dma_start3A_140 = arith.constant 4292608 : i32
      %dma_start3A_141 = tpu.memref_slice %arg2[%dma_start3A_140] : memref<4294967xf32, #tpu.memory_space<hbm>> -> memref<2359xf32, #tpu.memory_space<hbm>>
      tpu.enqueue_dma source(%dma_start3A_141 : memref<2359xf32, #tpu.memory_space<hbm>>) target(%arg6 : memref<2359xf32, #tpu.memory_space<vmem>>) target_semaphore(%arg11 : memref<!tpu.dma_semaphore, #tpu.memory_space<semaphore_mem>>)
    } else {
    }
    %add3A_3 = arith.constant 0 : i32
    %add3A_4 = arith.addi %add3A, %add3A_3 : i32
    %lt3A = arith.constant 131 : i32
    %lt3A_5 = arith.cmpi slt, %add3A_4, %lt3A : i32
    %convert_element_type3A_6 = arith.extui %lt3A_5 : i1 to i32
    %cond3A_7 = arith.constant 0 : i32
    %cond3A_8 = arith.cmpi ne, %convert_element_type3A_6, %cond3A_7 : i32
    scf.if %cond3A_8 {
      %add3A_139 = arith.constant 0 : i32
      %add3A_140 = arith.addi %add3A, %add3A_139 : i32
      %mul3A_141 = arith.constant 32768 : i32
      %mul3A_142 = arith.muli %add3A_140, %mul3A_141 : i32
      %dma_start3A = tpu.memref_slice %arg2[%mul3A_142] : memref<4294967xf32, #tpu.memory_space<hbm>> -> memref<32768xf32, #tpu.memory_space<hbm>>
      %dma_start3A_143 = tpu.memref_slice %arg2[%mul3A_142] : memref<4294967xf32, #tpu.memory_space<hbm>> -> memref<32768xf32, #tpu.memory_space<hbm>>
      tpu.enqueue_dma source(%dma_start3A_143 : memref<32768xf32, #tpu.memory_space<hbm>>) target(%arg4 : memref<32768xf32, #tpu.memory_space<vmem>>) target_semaphore(%arg7 : memref<!tpu.dma_semaphore, #tpu.memory_space<semaphore_mem>>)
    } else {
    }
    %add3A_9 = arith.constant 32 : i32
    %add3A_10 = arith.addi %add3A, %add3A_9 : i32
    %lt3A_11 = arith.constant 131 : i32
    %lt3A_12 = arith.cmpi slt, %add3A_10, %lt3A_11 : i32
    %convert_element_type3A_13 = arith.extui %lt3A_12 : i1 to i32
    %cond3A_14 = arith.constant 0 : i32
    %cond3A_15 = arith.cmpi ne, %convert_element_type3A_13, %cond3A_14 : i32
    scf.if %cond3A_15 {
      %add3A_139 = arith.constant 32 : i32
      %add3A_140 = arith.addi %add3A, %add3A_139 : i32
      %mul3A_141 = arith.constant 32768 : i32
      %mul3A_142 = arith.muli %add3A_140, %mul3A_141 : i32
      %dma_start3A = tpu.memref_slice %arg2[%mul3A_142] : memref<4294967xf32, #tpu.memory_space<hbm>> -> memref<32768xf32, #tpu.memory_space<hbm>>
      %dma_start3A_143 = tpu.memref_slice %arg2[%mul3A_142] : memref<4294967xf32, #tpu.memory_space<hbm>> -> memref<32768xf32, #tpu.memory_space<hbm>>
      tpu.enqueue_dma source(%dma_start3A_143 : memref<32768xf32, #tpu.memory_space<hbm>>) target(%arg5 : memref<32768xf32, #tpu.memory_space<vmem>>) target_semaphore(%arg8 : memref<!tpu.dma_semaphore, #tpu.memory_space<semaphore_mem>>)
    } else {
    }
    %add3A_16 = arith.constant 0 : i32
    %add3A_17 = arith.addi %add3A, %add3A_16 : i32
    %lt3A_18 = arith.constant 131 : i32
    %lt3A_19 = arith.cmpi slt, %add3A_17, %lt3A_18 : i32
    %convert_element_type3A_20 = arith.extui %lt3A_19 : i1 to i32
    %cond3A_21 = arith.constant 0 : i32
    %cond3A_22 = arith.cmpi ne, %convert_element_type3A_20, %cond3A_21 : i32
    scf.if %cond3A_22 {
      %add3A_139 = arith.constant 0 : i32
      %add3A_140 = arith.addi %add3A, %add3A_139 : i32
      %mul3A_141 = arith.constant 32768 : i32
      %mul3A_142 = arith.muli %add3A_140, %mul3A_141 : i32
      %dma_wait3A = tpu.memref_slice %arg2[%mul3A_142] : memref<4294967xf32, #tpu.memory_space<hbm>> -> memref<32768xf32, #tpu.memory_space<hbm>>
      %dma_wait3A_143 = tpu.memref_slice %arg2[%mul3A_142] : memref<4294967xf32, #tpu.memory_space<hbm>> -> memref<32768xf32, #tpu.memory_space<hbm>>
      tpu.wait_dma2 semaphore(%arg7 : memref<!tpu.dma_semaphore, #tpu.memory_space<semaphore_mem>>) src(%dma_wait3A_143 : memref<32768xf32, #tpu.memory_space<hbm>>) dst(%arg4 : memref<32768xf32, #tpu.memory_space<vmem>>)
      %add3A_144 = arith.constant 0 : i32
      %add3A_145 = arith.addi %add3A, %add3A_144 : i32
      %mul3A_146 = arith.constant 32768 : i32
      %mul3A_147 = arith.muli %add3A_145, %mul3A_146 : i32
      %dma_start3A = tpu.memref_slice %arg3[%mul3A_147] : memref<4294967xf32, #tpu.memory_space<hbm>> -> memref<32768xf32, #tpu.memory_space<hbm>>
      %dma_start3A_148 = tpu.memref_slice %arg3[%mul3A_147] : memref<4294967xf32, #tpu.memory_space<hbm>> -> memref<32768xf32, #tpu.memory_space<hbm>>
      tpu.enqueue_dma source(%arg4 : memref<32768xf32, #tpu.memory_space<vmem>>) target(%dma_start3A_148 : memref<32768xf32, #tpu.memory_space<hbm>>) target_semaphore(%arg9 : memref<!tpu.dma_semaphore, #tpu.memory_space<semaphore_mem>>)
    } else {
    }
    %add3A_23 = arith.constant 64 : i32
    %add3A_24 = arith.addi %add3A, %add3A_23 : i32
    %lt3A_25 = arith.constant 131 : i32
    %lt3A_26 = arith.cmpi slt, %add3A_24, %lt3A_25 : i32
    %convert_element_type3A_27 = arith.extui %lt3A_26 : i1 to i32
    %cond3A_28 = arith.constant 0 : i32
    %cond3A_29 = arith.cmpi ne, %convert_element_type3A_27, %cond3A_28 : i32
    scf.if %cond3A_29 {
      %add3A_139 = arith.constant 0 : i32
      %add3A_140 = arith.addi %add3A, %add3A_139 : i32
      %mul3A_141 = arith.constant 32768 : i32
      %mul3A_142 = arith.muli %add3A_140, %mul3A_141 : i32
      %dma_wait3A = tpu.memref_slice %arg3[%mul3A_142] : memref<4294967xf32, #tpu.memory_space<hbm>> -> memref<32768xf32, #tpu.memory_space<hbm>>
      %dma_wait3A_143 = tpu.memref_slice %arg3[%mul3A_142] : memref<4294967xf32, #tpu.memory_space<hbm>> -> memref<32768xf32, #tpu.memory_space<hbm>>
      tpu.wait_dma2 semaphore(%arg9 : memref<!tpu.dma_semaphore, #tpu.memory_space<semaphore_mem>>) src(%arg4 : memref<32768xf32, #tpu.memory_space<vmem>>) dst(%dma_wait3A_143 : memref<32768xf32, #tpu.memory_space<hbm>>)
      %add3A_144 = arith.constant 64 : i32
      %add3A_145 = arith.addi %add3A, %add3A_144 : i32
      %mul3A_146 = arith.constant 32768 : i32
      %mul3A_147 = arith.muli %add3A_145, %mul3A_146 : i32
      %dma_start3A = tpu.memref_slice %arg2[%mul3A_147] : memref<4294967xf32, #tpu.memory_space<hbm>> -> memref<32768xf32, #tpu.memory_space<hbm>>
      %dma_start3A_148 = tpu.memref_slice %arg2[%mul3A_147] : memref<4294967xf32, #tpu.memory_space<hbm>> -> memref<32768xf32, #tpu.memory_space<hbm>>
      tpu.enqueue_dma source(%dma_start3A_148 : memref<32768xf32, #tpu.memory_space<hbm>>) target(%arg4 : memref<32768xf32, #tpu.memory_space<vmem>>) target_semaphore(%arg7 : memref<!tpu.dma_semaphore, #tpu.memory_space<semaphore_mem>>)
    } else {
    }
    %add3A_30 = arith.constant 32 : i32
    %add3A_31 = arith.addi %add3A, %add3A_30 : i32
    %lt3A_32 = arith.constant 131 : i32
    %lt3A_33 = arith.cmpi slt, %add3A_31, %lt3A_32 : i32
    %convert_element_type3A_34 = arith.extui %lt3A_33 : i1 to i32
    %cond3A_35 = arith.constant 0 : i32
    %cond3A_36 = arith.cmpi ne, %convert_element_type3A_34, %cond3A_35 : i32
    scf.if %cond3A_36 {
      %add3A_139 = arith.constant 32 : i32
      %add3A_140 = arith.addi %add3A, %add3A_139 : i32
      %mul3A_141 = arith.constant 32768 : i32
      %mul3A_142 = arith.muli %add3A_140, %mul3A_141 : i32
      %dma_wait3A = tpu.memref_slice %arg2[%mul3A_142] : memref<4294967xf32, #tpu.memory_space<hbm>> -> memref<32768xf32, #tpu.memory_space<hbm>>
      %dma_wait3A_143 = tpu.memref_slice %arg2[%mul3A_142] : memref<4294967xf32, #tpu.memory_space<hbm>> -> memref<32768xf32, #tpu.memory_space<hbm>>
      tpu.wait_dma2 semaphore(%arg8 : memref<!tpu.dma_semaphore, #tpu.memory_space<semaphore_mem>>) src(%dma_wait3A_143 : memref<32768xf32, #tpu.memory_space<hbm>>) dst(%arg5 : memref<32768xf32, #tpu.memory_space<vmem>>)
      %add3A_144 = arith.constant 32 : i32
      %add3A_145 = arith.addi %add3A, %add3A_144 : i32
      %mul3A_146 = arith.constant 32768 : i32
      %mul3A_147 = arith.muli %add3A_145, %mul3A_146 : i32
      %dma_start3A = tpu.memref_slice %arg3[%mul3A_147] : memref<4294967xf32, #tpu.memory_space<hbm>> -> memref<32768xf32, #tpu.memory_space<hbm>>
      %dma_start3A_148 = tpu.memref_slice %arg3[%mul3A_147] : memref<4294967xf32, #tpu.memory_space<hbm>> -> memref<32768xf32, #tpu.memory_space<hbm>>
      tpu.enqueue_dma source(%arg5 : memref<32768xf32, #tpu.memory_space<vmem>>) target(%dma_start3A_148 : memref<32768xf32, #tpu.memory_space<hbm>>) target_semaphore(%arg10 : memref<!tpu.dma_semaphore, #tpu.memory_space<semaphore_mem>>)
    } else {
    }
    %add3A_37 = arith.constant 96 : i32
    %add3A_38 = arith.addi %add3A, %add3A_37 : i32
    %lt3A_39 = arith.constant 131 : i32
    %lt3A_40 = arith.cmpi slt, %add3A_38, %lt3A_39 : i32
    %convert_element_type3A_41 = arith.extui %lt3A_40 : i1 to i32
    %cond3A_42 = arith.constant 0 : i32
    %cond3A_43 = arith.cmpi ne, %convert_element_type3A_41, %cond3A_42 : i32
    scf.if %cond3A_43 {
      %add3A_139 = arith.constant 32 : i32
      %add3A_140 = arith.addi %add3A, %add3A_139 : i32
      %mul3A_141 = arith.constant 32768 : i32
      %mul3A_142 = arith.muli %add3A_140, %mul3A_141 : i32
      %dma_wait3A = tpu.memref_slice %arg3[%mul3A_142] : memref<4294967xf32, #tpu.memory_space<hbm>> -> memref<32768xf32, #tpu.memory_space<hbm>>
      %dma_wait3A_143 = tpu.memref_slice %arg3[%mul3A_142] : memref<4294967xf32, #tpu.memory_space<hbm>> -> memref<32768xf32, #tpu.memory_space<hbm>>
      tpu.wait_dma2 semaphore(%arg10 : memref<!tpu.dma_semaphore, #tpu.memory_space<semaphore_mem>>) src(%arg5 : memref<32768xf32, #tpu.memory_space<vmem>>) dst(%dma_wait3A_143 : memref<32768xf32, #tpu.memory_space<hbm>>)
      %add3A_144 = arith.constant 96 : i32
      %add3A_145 = arith.addi %add3A, %add3A_144 : i32
      %mul3A_146 = arith.constant 32768 : i32
      %mul3A_147 = arith.muli %add3A_145, %mul3A_146 : i32
      %dma_start3A = tpu.memref_slice %arg2[%mul3A_147] : memref<4294967xf32, #tpu.memory_space<hbm>> -> memref<32768xf32, #tpu.memory_space<hbm>>
      %dma_start3A_148 = tpu.memref_slice %arg2[%mul3A_147] : memref<4294967xf32, #tpu.memory_space<hbm>> -> memref<32768xf32, #tpu.memory_space<hbm>>
      tpu.enqueue_dma source(%dma_start3A_148 : memref<32768xf32, #tpu.memory_space<hbm>>) target(%arg5 : memref<32768xf32, #tpu.memory_space<vmem>>) target_semaphore(%arg8 : memref<!tpu.dma_semaphore, #tpu.memory_space<semaphore_mem>>)
    } else {
    }
    %add3A_44 = arith.constant 64 : i32
    %add3A_45 = arith.addi %add3A, %add3A_44 : i32
    %lt3A_46 = arith.constant 131 : i32
    %lt3A_47 = arith.cmpi slt, %add3A_45, %lt3A_46 : i32
    %convert_element_type3A_48 = arith.extui %lt3A_47 : i1 to i32
    %cond3A_49 = arith.constant 0 : i32
    %cond3A_50 = arith.cmpi ne, %convert_element_type3A_48, %cond3A_49 : i32
    scf.if %cond3A_50 {
      %add3A_139 = arith.constant 64 : i32
      %add3A_140 = arith.addi %add3A, %add3A_139 : i32
      %mul3A_141 = arith.constant 32768 : i32
      %mul3A_142 = arith.muli %add3A_140, %mul3A_141 : i32
      %dma_wait3A = tpu.memref_slice %arg2[%mul3A_142] : memref<4294967xf32, #tpu.memory_space<hbm>> -> memref<32768xf32, #tpu.memory_space<hbm>>
      %dma_wait3A_143 = tpu.memref_slice %arg2[%mul3A_142] : memref<4294967xf32, #tpu.memory_space<hbm>> -> memref<32768xf32, #tpu.memory_space<hbm>>
      tpu.wait_dma2 semaphore(%arg7 : memref<!tpu.dma_semaphore, #tpu.memory_space<semaphore_mem>>) src(%dma_wait3A_143 : memref<32768xf32, #tpu.memory_space<hbm>>) dst(%arg4 : memref<32768xf32, #tpu.memory_space<vmem>>)
      %add3A_144 = arith.constant 64 : i32
      %add3A_145 = arith.addi %add3A, %add3A_144 : i32
      %mul3A_146 = arith.constant 32768 : i32
      %mul3A_147 = arith.muli %add3A_145, %mul3A_146 : i32
      %dma_start3A = tpu.memref_slice %arg3[%mul3A_147] : memref<4294967xf32, #tpu.memory_space<hbm>> -> memref<32768xf32, #tpu.memory_space<hbm>>
      %dma_start3A_148 = tpu.memref_slice %arg3[%mul3A_147] : memref<4294967xf32, #tpu.memory_space<hbm>> -> memref<32768xf32, #tpu.memory_space<hbm>>
      tpu.enqueue_dma source(%arg4 : memref<32768xf32, #tpu.memory_space<vmem>>) target(%dma_start3A_148 : memref<32768xf32, #tpu.memory_space<hbm>>) target_semaphore(%arg9 : memref<!tpu.dma_semaphore, #tpu.memory_space<semaphore_mem>>)
    } else {
    }
    %add3A_51 = arith.constant 128 : i32
    %add3A_52 = arith.addi %add3A, %add3A_51 : i32
    %lt3A_53 = arith.constant 131 : i32
    %lt3A_54 = arith.cmpi slt, %add3A_52, %lt3A_53 : i32
    %convert_element_type3A_55 = arith.extui %lt3A_54 : i1 to i32
    %cond3A_56 = arith.constant 0 : i32
    %cond3A_57 = arith.cmpi ne, %convert_element_type3A_55, %cond3A_56 : i32
    scf.if %cond3A_57 {
      %add3A_139 = arith.constant 64 : i32
      %add3A_140 = arith.addi %add3A, %add3A_139 : i32
      %mul3A_141 = arith.constant 32768 : i32
      %mul3A_142 = arith.muli %add3A_140, %mul3A_141 : i32
      %dma_wait3A = tpu.memref_slice %arg3[%mul3A_142] : memref<4294967xf32, #tpu.memory_space<hbm>> -> memref<32768xf32, #tpu.memory_space<hbm>>
      %dma_wait3A_143 = tpu.memref_slice %arg3[%mul3A_142] : memref<4294967xf32, #tpu.memory_space<hbm>> -> memref<32768xf32, #tpu.memory_space<hbm>>
      tpu.wait_dma2 semaphore(%arg9 : memref<!tpu.dma_semaphore, #tpu.memory_space<semaphore_mem>>) src(%arg4 : memref<32768xf32, #tpu.memory_space<vmem>>) dst(%dma_wait3A_143 : memref<32768xf32, #tpu.memory_space<hbm>>)
      %add3A_144 = arith.constant 128 : i32
      %add3A_145 = arith.addi %add3A, %add3A_144 : i32
      %mul3A_146 = arith.constant 32768 : i32
      %mul3A_147 = arith.muli %add3A_145, %mul3A_146 : i32
      %dma_start3A = tpu.memref_slice %arg2[%mul3A_147] : memref<4294967xf32, #tpu.memory_space<hbm>> -> memref<32768xf32, #tpu.memory_space<hbm>>
      %dma_start3A_148 = tpu.memref_slice %arg2[%mul3A_147] : memref<4294967xf32, #tpu.memory_space<hbm>> -> memref<32768xf32, #tpu.memory_space<hbm>>
      tpu.enqueue_dma source(%dma_start3A_148 : memref<32768xf32, #tpu.memory_space<hbm>>) target(%arg4 : memref<32768xf32, #tpu.memory_space<vmem>>) target_semaphore(%arg7 : memref<!tpu.dma_semaphore, #tpu.memory_space<semaphore_mem>>)
    } else {
    }
    %add3A_58 = arith.constant 96 : i32
    %add3A_59 = arith.addi %add3A, %add3A_58 : i32
    %lt3A_60 = arith.constant 131 : i32
    %lt3A_61 = arith.cmpi slt, %add3A_59, %lt3A_60 : i32
    %convert_element_type3A_62 = arith.extui %lt3A_61 : i1 to i32
    %cond3A_63 = arith.constant 0 : i32
    %cond3A_64 = arith.cmpi ne, %convert_element_type3A_62, %cond3A_63 : i32
    scf.if %cond3A_64 {
      %add3A_139 = arith.constant 96 : i32
      %add3A_140 = arith.addi %add3A, %add3A_139 : i32
      %mul3A_141 = arith.constant 32768 : i32
      %mul3A_142 = arith.muli %add3A_140, %mul3A_141 : i32
      %dma_wait3A = tpu.memref_slice %arg2[%mul3A_142] : memref<4294967xf32, #tpu.memory_space<hbm>> -> memref<32768xf32, #tpu.memory_space<hbm>>
      %dma_wait3A_143 = tpu.memref_slice %arg2[%mul3A_142] : memref<4294967xf32, #tpu.memory_space<hbm>> -> memref<32768xf32, #tpu.memory_space<hbm>>
      tpu.wait_dma2 semaphore(%arg8 : memref<!tpu.dma_semaphore, #tpu.memory_space<semaphore_mem>>) src(%dma_wait3A_143 : memref<32768xf32, #tpu.memory_space<hbm>>) dst(%arg5 : memref<32768xf32, #tpu.memory_space<vmem>>)
      %add3A_144 = arith.constant 96 : i32
      %add3A_145 = arith.addi %add3A, %add3A_144 : i32
      %mul3A_146 = arith.constant 32768 : i32
      %mul3A_147 = arith.muli %add3A_145, %mul3A_146 : i32
      %dma_start3A = tpu.memref_slice %arg3[%mul3A_147] : memref<4294967xf32, #tpu.memory_space<hbm>> -> memref<32768xf32, #tpu.memory_space<hbm>>
      %dma_start3A_148 = tpu.memref_slice %arg3[%mul3A_147] : memref<4294967xf32, #tpu.memory_space<hbm>> -> memref<32768xf32, #tpu.memory_space<hbm>>
      tpu.enqueue_dma source(%arg5 : memref<32768xf32, #tpu.memory_space<vmem>>) target(%dma_start3A_148 : memref<32768xf32, #tpu.memory_space<hbm>>) target_semaphore(%arg10 : memref<!tpu.dma_semaphore, #tpu.memory_space<semaphore_mem>>)
    } else {
    }
    %add3A_65 = arith.constant 128 : i32
    %add3A_66 = arith.addi %add3A, %add3A_65 : i32
    %lt3A_67 = arith.constant 131 : i32
    %lt3A_68 = arith.cmpi slt, %add3A_66, %lt3A_67 : i32
    %convert_element_type3A_69 = arith.extui %lt3A_68 : i1 to i32
    %cond3A_70 = arith.constant 0 : i32
    %cond3A_71 = arith.cmpi ne, %convert_element_type3A_69, %cond3A_70 : i32
    scf.if %cond3A_71 {
      %add3A_139 = arith.constant 128 : i32
      %add3A_140 = arith.addi %add3A, %add3A_139 : i32
      %mul3A_141 = arith.constant 32768 : i32
      %mul3A_142 = arith.muli %add3A_140, %mul3A_141 : i32
      %dma_wait3A = tpu.memref_slice %arg2[%mul3A_142] : memref<4294967xf32, #tpu.memory_space<hbm>> -> memref<32768xf32, #tpu.memory_space<hbm>>
      %dma_wait3A_143 = tpu.memref_slice %arg2[%mul3A_142] : memref<4294967xf32, #tpu.memory_space<hbm>> -> memref<32768xf32, #tpu.memory_space<hbm>>
      tpu.wait_dma2 semaphore(%arg7 : memref<!tpu.dma_semaphore, #tpu.memory_space<semaphore_mem>>) src(%dma_wait3A_143 : memref<32768xf32, #tpu.memory_space<hbm>>) dst(%arg4 : memref<32768xf32, #tpu.memory_space<vmem>>)
      %add3A_144 = arith.constant 128 : i32
      %add3A_145 = arith.addi %add3A, %add3A_144 : i32
      %mul3A_146 = arith.constant 32768 : i32
      %mul3A_147 = arith.muli %add3A_145, %mul3A_146 : i32
      %dma_start3A = tpu.memref_slice %arg3[%mul3A_147] : memref<4294967xf32, #tpu.memory_space<hbm>> -> memref<32768xf32, #tpu.memory_space<hbm>>
      %dma_start3A_148 = tpu.memref_slice %arg3[%mul3A_147] : memref<4294967xf32, #tpu.memory_space<hbm>> -> memref<32768xf32, #tpu.memory_space<hbm>>
      tpu.enqueue_dma source(%arg4 : memref<32768xf32, #tpu.memory_space<vmem>>) target(%dma_start3A_148 : memref<32768xf32, #tpu.memory_space<hbm>>) target_semaphore(%arg9 : memref<!tpu.dma_semaphore, #tpu.memory_space<semaphore_mem>>)
    } else {
    }
    %add3A_72 = arith.constant 64 : i32
    %add3A_73 = arith.addi %add3A, %add3A_72 : i32
    %lt3A_74 = arith.constant 131 : i32
    %lt3A_75 = arith.cmpi slt, %add3A_73, %lt3A_74 : i32
    %add3A_76 = arith.constant 0 : i32
    %add3A_77 = arith.addi %add3A, %add3A_76 : i32
    %lt3A_78 = arith.constant 131 : i32
    %lt3A_79 = arith.cmpi slt, %add3A_77, %lt3A_78 : i32
    %not3A = arith.constant true
    %not3A_80 = arith.xori %lt3A_75, %not3A : i1
    %and3A = arith.andi %lt3A_79, %not3A_80 : i1
    %convert_element_type3A_81 = arith.extui %and3A : i1 to i32
    %cond3A_82 = arith.constant 0 : i32
    %cond3A_83 = arith.cmpi ne, %convert_element_type3A_81, %cond3A_82 : i32
    scf.if %cond3A_83 {
      %add3A_139 = arith.constant 0 : i32
      %add3A_140 = arith.addi %add3A, %add3A_139 : i32
      %mul3A_141 = arith.constant 32768 : i32
      %mul3A_142 = arith.muli %add3A_140, %mul3A_141 : i32
      %dma_wait3A = tpu.memref_slice %arg3[%mul3A_142] : memref<4294967xf32, #tpu.memory_space<hbm>> -> memref<32768xf32, #tpu.memory_space<hbm>>
      %dma_wait3A_143 = tpu.memref_slice %arg3[%mul3A_142] : memref<4294967xf32, #tpu.memory_space<hbm>> -> memref<32768xf32, #tpu.memory_space<hbm>>
      tpu.wait_dma2 semaphore(%arg9 : memref<!tpu.dma_semaphore, #tpu.memory_space<semaphore_mem>>) src(%arg4 : memref<32768xf32, #tpu.memory_space<vmem>>) dst(%dma_wait3A_143 : memref<32768xf32, #tpu.memory_space<hbm>>)
    } else {
    }
    %add3A_84 = arith.constant 96 : i32
    %add3A_85 = arith.addi %add3A, %add3A_84 : i32
    %lt3A_86 = arith.constant 131 : i32
    %lt3A_87 = arith.cmpi slt, %add3A_85, %lt3A_86 : i32
    %add3A_88 = arith.constant 32 : i32
    %add3A_89 = arith.addi %add3A, %add3A_88 : i32
    %lt3A_90 = arith.constant 131 : i32
    %lt3A_91 = arith.cmpi slt, %add3A_89, %lt3A_90 : i32
    %not3A_92 = arith.constant true
    %not3A_93 = arith.xori %lt3A_87, %not3A_92 : i1
    %and3A_94 = arith.andi %lt3A_91, %not3A_93 : i1
    %convert_element_type3A_95 = arith.extui %and3A_94 : i1 to i32
    %cond3A_96 = arith.constant 0 : i32
    %cond3A_97 = arith.cmpi ne, %convert_element_type3A_95, %cond3A_96 : i32
    scf.if %cond3A_97 {
      %add3A_139 = arith.constant 32 : i32
      %add3A_140 = arith.addi %add3A, %add3A_139 : i32
      %mul3A_141 = arith.constant 32768 : i32
      %mul3A_142 = arith.muli %add3A_140, %mul3A_141 : i32
      %dma_wait3A = tpu.memref_slice %arg3[%mul3A_142] : memref<4294967xf32, #tpu.memory_space<hbm>> -> memref<32768xf32, #tpu.memory_space<hbm>>
      %dma_wait3A_143 = tpu.memref_slice %arg3[%mul3A_142] : memref<4294967xf32, #tpu.memory_space<hbm>> -> memref<32768xf32, #tpu.memory_space<hbm>>
      tpu.wait_dma2 semaphore(%arg10 : memref<!tpu.dma_semaphore, #tpu.memory_space<semaphore_mem>>) src(%arg5 : memref<32768xf32, #tpu.memory_space<vmem>>) dst(%dma_wait3A_143 : memref<32768xf32, #tpu.memory_space<hbm>>)
    } else {
    }
    %add3A_98 = arith.constant 128 : i32
    %add3A_99 = arith.addi %add3A, %add3A_98 : i32
    %lt3A_100 = arith.constant 131 : i32
    %lt3A_101 = arith.cmpi slt, %add3A_99, %lt3A_100 : i32
    %add3A_102 = arith.constant 64 : i32
    %add3A_103 = arith.addi %add3A, %add3A_102 : i32
    %lt3A_104 = arith.constant 131 : i32
    %lt3A_105 = arith.cmpi slt, %add3A_103, %lt3A_104 : i32
    %not3A_106 = arith.constant true
    %not3A_107 = arith.xori %lt3A_101, %not3A_106 : i1
    %and3A_108 = arith.andi %lt3A_105, %not3A_107 : i1
    %convert_element_type3A_109 = arith.extui %and3A_108 : i1 to i32
    %cond3A_110 = arith.constant 0 : i32
    %cond3A_111 = arith.cmpi ne, %convert_element_type3A_109, %cond3A_110 : i32
    scf.if %cond3A_111 {
      %add3A_139 = arith.constant 64 : i32
      %add3A_140 = arith.addi %add3A, %add3A_139 : i32
      %mul3A_141 = arith.constant 32768 : i32
      %mul3A_142 = arith.muli %add3A_140, %mul3A_141 : i32
      %dma_wait3A = tpu.memref_slice %arg3[%mul3A_142] : memref<4294967xf32, #tpu.memory_space<hbm>> -> memref<32768xf32, #tpu.memory_space<hbm>>
      %dma_wait3A_143 = tpu.memref_slice %arg3[%mul3A_142] : memref<4294967xf32, #tpu.memory_space<hbm>> -> memref<32768xf32, #tpu.memory_space<hbm>>
      tpu.wait_dma2 semaphore(%arg9 : memref<!tpu.dma_semaphore, #tpu.memory_space<semaphore_mem>>) src(%arg4 : memref<32768xf32, #tpu.memory_space<vmem>>) dst(%dma_wait3A_143 : memref<32768xf32, #tpu.memory_space<hbm>>)
    } else {
    }
    %add3A_112 = arith.constant 96 : i32
    %add3A_113 = arith.addi %add3A, %add3A_112 : i32
    %lt3A_114 = arith.constant 131 : i32
    %lt3A_115 = arith.cmpi slt, %add3A_113, %lt3A_114 : i32
    %not3A_116 = arith.constant false
    %not3A_117 = arith.constant true
    %not3A_118 = arith.xori %not3A_116, %not3A_117 : i1
    %and3A_119 = arith.andi %lt3A_115, %not3A_118 : i1
    %convert_element_type3A_120 = arith.extui %and3A_119 : i1 to i32
    %cond3A_121 = arith.constant 0 : i32
    %cond3A_122 = arith.cmpi ne, %convert_element_type3A_120, %cond3A_121 : i32
    scf.if %cond3A_122 {
      %add3A_139 = arith.constant 96 : i32
      %add3A_140 = arith.addi %add3A, %add3A_139 : i32
      %mul3A_141 = arith.constant 32768 : i32
      %mul3A_142 = arith.muli %add3A_140, %mul3A_141 : i32
      %dma_wait3A = tpu.memref_slice %arg3[%mul3A_142] : memref<4294967xf32, #tpu.memory_space<hbm>> -> memref<32768xf32, #tpu.memory_space<hbm>>
      %dma_wait3A_143 = tpu.memref_slice %arg3[%mul3A_142] : memref<4294967xf32, #tpu.memory_space<hbm>> -> memref<32768xf32, #tpu.memory_space<hbm>>
      tpu.wait_dma2 semaphore(%arg10 : memref<!tpu.dma_semaphore, #tpu.memory_space<semaphore_mem>>) src(%arg5 : memref<32768xf32, #tpu.memory_space<vmem>>) dst(%dma_wait3A_143 : memref<32768xf32, #tpu.memory_space<hbm>>)
    } else {
    }
    %add3A_123 = arith.constant 128 : i32
    %add3A_124 = arith.addi %add3A, %add3A_123 : i32
    %lt3A_125 = arith.constant 131 : i32
    %lt3A_126 = arith.cmpi slt, %add3A_124, %lt3A_125 : i32
    %not3A_127 = arith.constant false
    %not3A_128 = arith.constant true
    %not3A_129 = arith.xori %not3A_127, %not3A_128 : i1
    %and3A_130 = arith.andi %lt3A_126, %not3A_129 : i1
    %convert_element_type3A_131 = arith.extui %and3A_130 : i1 to i32
    %cond3A_132 = arith.constant 0 : i32
    %cond3A_133 = arith.cmpi ne, %convert_element_type3A_131, %cond3A_132 : i32
    scf.if %cond3A_133 {
      %add3A_139 = arith.constant 128 : i32
      %add3A_140 = arith.addi %add3A, %add3A_139 : i32
      %mul3A_141 = arith.constant 32768 : i32
      %mul3A_142 = arith.muli %add3A_140, %mul3A_141 : i32
      %dma_wait3A = tpu.memref_slice %arg3[%mul3A_142] : memref<4294967xf32, #tpu.memory_space<hbm>> -> memref<32768xf32, #tpu.memory_space<hbm>>
      %dma_wait3A_143 = tpu.memref_slice %arg3[%mul3A_142] : memref<4294967xf32, #tpu.memory_space<hbm>> -> memref<32768xf32, #tpu.memory_space<hbm>>
      tpu.wait_dma2 semaphore(%arg9 : memref<!tpu.dma_semaphore, #tpu.memory_space<semaphore_mem>>) src(%arg4 : memref<32768xf32, #tpu.memory_space<vmem>>) dst(%dma_wait3A_143 : memref<32768xf32, #tpu.memory_space<hbm>>)
    } else {
    }
    %eq3A_134 = arith.constant 31 : i32
    %eq3A_135 = arith.cmpi eq, %add3A, %eq3A_134 : i32
    %convert_element_type3A_136 = arith.extui %eq3A_135 : i1 to i32
    %cond3A_137 = arith.constant 0 : i32
    %cond3A_138 = arith.cmpi ne, %convert_element_type3A_136, %cond3A_137 : i32
    scf.if %cond3A_138 {
      %dma_wait3A = arith.constant 4292608 : i32
      %dma_wait3A_139 = tpu.memref_slice %arg2[%dma_wait3A] : memref<4294967xf32, #tpu.memory_space<hbm>> -> memref<2359xf32, #tpu.memory_space<hbm>>
      %dma_wait3A_140 = arith.constant 4292608 : i32
      %dma_wait3A_141 = tpu.memref_slice %arg2[%dma_wait3A_140] : memref<4294967xf32, #tpu.memory_space<hbm>> -> memref<2359xf32, #tpu.memory_space<hbm>>
      tpu.wait_dma2 semaphore(%arg11 : memref<!tpu.dma_semaphore, #tpu.memory_space<semaphore_mem>>) src(%dma_wait3A_141 : memref<2359xf32, #tpu.memory_space<hbm>>) dst(%arg6 : memref<2359xf32, #tpu.memory_space<vmem>>)
      %dma_start3A = arith.constant 4292608 : i32
      %dma_start3A_142 = tpu.memref_slice %arg3[%dma_start3A] : memref<4294967xf32, #tpu.memory_space<hbm>> -> memref<2359xf32, #tpu.memory_space<hbm>>
      %dma_start3A_143 = arith.constant 4292608 : i32
      %dma_start3A_144 = tpu.memref_slice %arg3[%dma_start3A_143] : memref<4294967xf32, #tpu.memory_space<hbm>> -> memref<2359xf32, #tpu.memory_space<hbm>>
      tpu.enqueue_dma source(%arg6 : memref<2359xf32, #tpu.memory_space<vmem>>) target(%dma_start3A_144 : memref<2359xf32, #tpu.memory_space<hbm>>) target_semaphore(%arg11 : memref<!tpu.dma_semaphore, #tpu.memory_space<semaphore_mem>>)
      %dma_wait3A_145 = arith.constant 4292608 : i32
      %dma_wait3A_146 = tpu.memref_slice %arg3[%dma_wait3A_145] : memref<4294967xf32, #tpu.memory_space<hbm>> -> memref<2359xf32, #tpu.memory_space<hbm>>
      %dma_wait3A_147 = arith.constant 4292608 : i32
      %dma_wait3A_148 = tpu.memref_slice %arg3[%dma_wait3A_147] : memref<4294967xf32, #tpu.memory_space<hbm>> -> memref<2359xf32, #tpu.memory_space<hbm>>
      tpu.wait_dma2 semaphore(%arg11 : memref<!tpu.dma_semaphore, #tpu.memory_space<semaphore_mem>>) src(%arg6 : memref<2359xf32, #tpu.memory_space<vmem>>) dst(%dma_wait3A_148 : memref<2359xf32, #tpu.memory_space<hbm>>)
    } else {
    }
    return
  }
}

</mosaic_0001>

<sc_bundles>
// kernel: kernel.3.cloned.1.call-start
scs
__scs_entry_jumppad:
0x0: {  	(pc) =	sbr.rel $0x88, $3  }
0x1: {  	(tag) =	ssettag $0x0;
	lr =	simm.s32 $0x1  }
0x2: {  	[smem:$0x3FA0] =	sst lr;
	_ =	strace $0xD0000000  }
0x3: {  	_ = 	snop  }
0x4: {  	_ = 	snop  }
0x5: {  	_ = 	snop  }
0x6: {  	_ = 	snop  }
0x7: {  	_ = 	snop  }
__scs_overlays_trampoline_lowered:
0x8: {  	[smem:$0x3FAF] =	sst s0  }
0x9: {  	[smem:$0x3FB0] =	sst s1  }
0xa: {  	[smem:$0x3FB1] =	sst s2  }
0xb: {  	[smem:$0x3FB2] =	sst s3  }
0xc: {  	[smem:$0x3FB3] =	sst s4  }
0xd: {  	[smem:$0x3FB4] =	sst s5  }
0xe: {  	[smem:$0x3FB5] =	sst s6  }
0xf: {  	[smem:$0x3FB6] =	sst s7  }
0x10: {  	[smem:$0x3FB7] =	sst s8  }
0x11: {  	[smem:$0x3FB8] =	sst s9;
	s0 =	simm.s32 @!p0 $0x0  }
0x12: {  	s1 =	sld [smem:$0x3F9E];
	s0 =	simm.s32 @p0 $0x1  }
0x13: {  	[smem:$0x3FB9] =	sst s0;
	s0 =	simm.s32 @!p1 $0x0  }
0x14: {  	s2 =	sld [smem:$0x3F9D];
	s0 =	simm.s32 @p1 $0x1  }
0x15: {  	[smem:$0x3FBA] =	sst s0;
	s0 =	simm.s32 @!p2 $0x0  }
0x16: {  	s3 =	sld [smem:$0x3FDB];
	s0 =	simm.s32 @p2 $0x1  }
0x17: {  	s4 =	simm.s32 $0x1BF5;
	[smem:$0x3FBC] =	sst s0  }
0x18: {  	s0 =	sld [smem:$0x3F9F];
	_ =	swait.ge [sflag:s4], $0x0  }
0x19: {  	s7 =	sld [smem:$0x3FA0]  }
0x1a: {  	s8 =	sadd.s32 $0xFFFFE003, lr  }
0x1b: {  	s9 =	sadd.s32 $0xFFFFFEF7, lr;
	s5 =	simm.s32 $0xFFFFFFFF;
	p2 =	slt.u32 s8, $0xFFFFF086  }
0x1c: {  	p1 =	slt.u32 s9, $0xF7A;
	s5 =	simm.s32 @!p2 $0x0  }
0x1d: {  	s5 =	simm.s32 @p1 $0x1;
	p0 =	seq.s32 s7, s2  }
0x1e: {  	s7 =	smul.u32 @!p0 $0xF7A, s2;
	p2 =	seq.s32 @!p0 s5, $0x0  }
0x1f: {  	s9 =	smul.u32 $0xF7A, s1;
	s8 =	simm.s32 @!p0 $0x1BF5;
	p2 =	por !p2, p0  }
0x20: {  	[sflag:s8] =	ssyncset.s32 @!p0 $0xFFFFF086;
	s6 =	sadd.s32 @!p0 s3, s7;
	s7 =	simm.s32 @!p0 $0x108  }
0x21: {  	s3 =	sadd.s32 s3, s9;
	s6 =	sadd.s32 @!p0 $0x88, s6;
	s7 =	simm.s32 @p2 $0x1082  }
0x22: {  	[simem:s7], [sflag:s8] =	dma.local @!p0 [hbm:s6], $0xF7A  }
0x23: {  	s9 =	sor.u32 $0xD0000000, s2;
	s6 =	simm.s32 $0x108;
	_ =	swait.ge @!p0 [sflag:s8], $0x0  }
0x24: {  	s3 =	sadd.s32 $0x88, s3;
	s6 =	simm.s32 @!p1 $0x1082;
	[sflag:s4] =	ssyncset.s32 $0xFFFFF086  }
0x25: {  	[simem:s6], [sflag:s4] =	dma.local [hbm:s3], $0xF7A  }
0x26: {  	[smem:$0x3FA0] =	sst s1;
	(tag) =	ssettag s2;
	_ =	strace s9  }
0x27: {  	s1 =	sld [smem:$0x3FB0]  }
0x28: {  	s2 =	sld [smem:$0x3FB1]  }
0x29: {  	s4 =	sld [smem:$0x3FB3]  }
0x2a: {  	p0 =	seq.s32 s5, $0x0;
	s5 =	sld [smem:$0x3FB4]  }
0x2b: {  	s6 =	sld [smem:$0x3FB5]  }
0x2c: {  	s7 =	sld [smem:$0x3FB6]  }
0x2d: {  	s3 =	simm.s32 $0x108;
	s8 =	sld [smem:$0x3FB7]  }
0x2e: {  	s3 =	simm.s32 @!p0 $0x1082;
	s9 =	sld [smem:$0x3FB8]  }
0x2f: {  	lr =	sadd.s32 s0, s3;
	s0 =	sld [smem:$0x3FAF]  }
0x30: {  	s3 =	sld [smem:$0x3FB2]  }
0x31: {  	[smem:$0x3FBB] =	sst s10  }
0x32: {  	s10 =	sld [smem:$0x3FB9];
	_ =	sdelay $0x3  }
0x33: {  	p0 =	seq.s32 s10, $0x1;
	s10 =	sld [smem:$0x3FBB];
	_ =	sdelay $0x3  }
0x34: {  	[smem:$0x3FBB] =	sst s10  }
0x35: {  	s10 =	sld [smem:$0x3FBA];
	_ =	sdelay $0x3  }
0x36: {  	p1 =	seq.s32 s10, $0x1;
	s10 =	sld [smem:$0x3FBB];
	_ =	sdelay $0x3  }
0x37: {  	[smem:$0x3FBB] =	sst s10  }
0x38: {  	s10 =	sld [smem:$0x3FBC]  }
0x39: {  	_ = 	snop;
	(pc) =	sbr.ind lr, $3  }
0x3a: {  	_ = 	snop  }
0x3b: {  	_ = 	snop  }
0x3c: {  	p2 =	seq.s32 s10, $0x1;
	s10 =	sld [smem:$0x3FBB]  }
0x3d: {  	_ =	shalt  }
0x3e: {  	_ =	shalt  }
0x3f: {  	_ =	shalt  }
0x40: {  	_ =	shalt  }
0x41: {  	_ =	shalt  }
0x42: {  	_ =	shalt  }
0x43: {  	_ =	shalt  }
0x44: {  	_ =	shalt  }
0x45: {  	_ =	shalt  }
0x46: {  	_ =	shalt  }
0x47: {  	_ =	shalt  }
0x48: {  	_ =	shalt  }
0x49: {  	_ =	shalt  }
0x4a: {  	_ =	shalt  }
0x4b: {  	_ =	shalt  }
0x4c: {  	_ =	shalt  }
0x4d: {  	_ =	shalt  }
0x4e: {  	_ =	shalt  }
0x4f: {  	_ =	shalt  }
0x50: {  	_ =	shalt  }
0x51: {  	_ =	shalt  }
0x52: {  	_ =	shalt  }
0x53: {  	_ =	shalt  }
0x54: {  	_ =	shalt  }
0x55: {  	_ =	shalt  }
0x56: {  	_ =	shalt  }
0x57: {  	_ =	shalt  }
0x58: {  	_ =	shalt  }
0x59: {  	_ =	shalt  }
0x5a: {  	_ =	shalt  }
0x5b: {  	_ =	shalt  }
0x5c: {  	_ =	shalt  }
0x5d: {  	_ =	shalt  }
0x5e: {  	_ =	shalt  }
0x5f: {  	_ =	shalt  }
0x60: {  	_ =	shalt  }
0x61: {  	_ =	shalt  }
0x62: {  	_ =	shalt  }
0x63: {  	_ =	shalt  }
0x64: {  	_ =	shalt  }
0x65: {  	_ =	shalt  }
0x66: {  	_ =	shalt  }
0x67: {  	_ =	shalt  }
0x68: {  	_ =	shalt  }
0x69: {  	_ =	shalt  }
0x6a: {  	_ =	shalt  }
0x6b: {  	_ =	shalt  }
0x6c: {  	_ =	shalt  }
0x6d: {  	_ =	shalt  }
0x6e: {  	_ =	shalt  }
0x6f: {  	_ =	shalt  }
0x70: {  	_ =	shalt  }
0x71: {  	_ =	shalt  }
0x72: {  	_ =	shalt  }
0x73: {  	_ =	shalt  }
0x74: {  	_ =	shalt  }
0x75: {  	_ =	shalt  }
0x76: {  	_ =	shalt  }
0x77: {  	_ =	shalt  }
0x78: {  	_ =	shalt  }
0x79: {  	_ =	shalt  }
0x7a: {  	_ =	shalt  }
0x7b: {  	_ =	shalt  }
0x7c: {  	_ =	shalt  }
0x7d: {  	_ =	shalt  }
0x7e: {  	_ =	shalt  }
0x7f: {  	_ =	shalt  }
0x80: {  	_ =	shalt  }
0x81: {  	_ =	shalt  }
0x82: {  	_ =	shalt  }
0x83: {  	_ =	shalt  }
0x84: {  	_ =	shalt  }
0x85: {  	_ =	shalt  }
0x86: {  	_ =	shalt  }
0x87: {  	_ =	shalt  }
.Lfunc_end0:
.L_simem_size_0:
called_computation_lowered:
.L_overlay_start_0:
0x88: {  	s2 =	sld [smem:$0x3FD9]  }
0x89: {  	s3 =	sld [smem:$0x3FFE];
	_ =	sdelay $0x1  }
0x8a: {  	s1 =	srdreg.scid  }
0x8b: {  	s0 =	sand.u32 $0x1, s1  }
0x8c: {  	s18 =	sshll.u32 s0, $0xA;
	s2 =	sadd.s32 s3, s2  }
0x8d: {  	s2 =	sadd.s32 s2, s18  }
0x8e: {  	[smem:$0x3FC7] =	sst s2  }
0x8f: {  	_ = 	snop  }
0x90: {  	s2 =	sld [smem:$0x3FC9]  }
0x91: {  	s19 =	sld [smem:$0x3FD0];
	(tm) =	ssettm $0x1  }
0x92: {  	s4 =	sld [smem:$0x3FFB];
	_ =	sdelay $0x3  }
0x93: {  	_ =	strace s4  }
0x94: {  	s4 =	sld [smem:$0x3FFC];
	_ =	sdelay $0x3  }
0x95: {  	_ =	strace s4  }
0x96: {  	s4 =	sld [smem:$0x3FFD];
	_ =	sdelay $0x3  }
0x97: {  	_ =	strace s4  }
0x98: {  	_ =	strace $0x8FFFFFFF  }
0x99: {  	s20 =	sld [smem:$0x3FDB];
	_ =	sdelay $0x1  }
0x9a: {  	s5 =	simm.s32 $_scs_section_size  }
0x9b: {  	s6 =	simm.s32 $_size__tile_overlayer_lowered;
	s7 =	simm.s32 $_tile_overlayer_lowered  }
0x9c: {  	s23 =	simm.s32 $0x1BFF;
	s22 =	sshll.u32 s7, $0x1;
	s4 =	sadd.s32 s5, s20  }
0x9d: {  	s8 =	simm.s32 $0x0;
	s21 =	sshll.u32 s6, $0x1;
	s6 =	sadd.s32 s22, s4  }
0x9e: {  	[timem:s8], [sflag:s23] =	dma.local [hbm:s6], s21  }
0x9f: {  	_ =	swait.ge [sflag:s23], s21  }
0xa0: {  	s5 =	ssub.s32 $0x0, s21;
	[sflag:s23] =	ssyncset.done $0x0  }
0xa1: {  	[sflag:s23] =	ssyncadd.s32 s5;
	_ =	sdelay $0x1  }
0xa2: {  	s24 =	simm.s32 $0x1B8B  }
0xa3: {  	_ =	swait.ge [sflag:s24], $0x1  }
0xa4: {  	[sflag:s24] =	ssyncset.done $0x0  }
0xa5: {  	s25 =	simm.s32 $0x1B8E;
	[sflag:s24] =	ssyncadd.s32 $0xFFFFFFFF  }
0xa6: {  	s26 =	simm.s32 $execute0_lowered;
	[smem:$0x3FD2] =	sst s25  }
0xa7: {  	s5 =	sshll.u32 s26, $0x1;
	_ =	strace $0x80000046;
	[dreg:$0x1] =	wrdreg $0xFFFFFFFF  }
0xa8: {  	s28 =	simm.s32 $_size_execute0_lowered;
	s4 =	sadd.s32 s4, s5;
	[dreg:$0x0] =	wrdreg $0x0  }
0xa9: {  	s5 =	sshll.u32 s28, $0x1;
	[dreg:$0x2] =	wrdreg s4  }
0xaa: {  	[dreg:$0x3] =	wrdreg s5  }
0xab: {  	[dreg:$0x4] =	wrdreg $0xC0  }
0xac: {  	_ =	task [dreg:s8], $0x5FFFF  }
0xad: {  	[dreg:$0x1] =	wrdreg $0xFFFFFFFF  }
0xae: {  	[dreg:$0x0] =	wrdreg $0x60  }
0xaf: {  	[dreg:$0x2] =	wrdreg s2  }
0xb0: {  	[dreg:$0x3] =	wrdreg s19  }
0xb1: {  	[dreg:$0x4] =	wrdreg $0x9  }
0xb2: {  	_ =	task.clear_ibuf [dreg:s8], $0x5FFFF;
	_ =	strace $0x90000046  }
0xb3: {  	s29 =	simm.s32 $0x9;
	_ =	strace $0x80000048  }
0xb4: {  	_ =	swait.ge [sflag:s29], $0x1  }
0xb5: {  	[sflag:s29] =	ssyncadd.s32 $0xFFFFFFFF  }
0xb6: {  	_ =	strace $0x90000048  }
0xb7: {  	_ =	sfence  }
0xb8: {  	s30 =	sld [smem:$0x0];
	_ =	sdelay $0x2  }
0xb9: {  	s31 =	sshll.u32 s1, $0xD;
	s1 =	sshrl.u32 s1, $0x2  }
0xba: {  	s3 =	sand.u32 $0x4000, s31;
	s1 =	sadd.s32 s1, s30  }
0xbb: {  	s0 =	sor.u32 s3, s0;
	s1 =	sshll.u32 s1, $0x11  }
0xbc: {  	s0 =	sor.u32 s1, s0  }
0xbd: {  	s0 =	sadd.s32 $0x8F2B, s0  }
0xbe: {  	[sflag:s0] =	ssyncadd.remote.s32 $0x1  }
0xbf: {  	_ =	sfence.sel $0xFFFF  }
0xc0: {  	[dreg:$0x0] =	wrdreg $0xFFFFFFFF;
	(pc) =	sbr.abs _section_cstart, $3  }
0xc1: {  	[dreg:$0x1] =	wrdreg $0xFFFFFFFF  }
0xc2: {  	_ =	task.clear_ibuf [dreg:s8], $0x2FFFF;
	_ =	strace $0x9FFFFFFF  }
0xc3: {  	(tm) =	ssettm $0x7FFFFFFF  }
tec
execute0_lowered:
.L_overlay_start_1:
0x0: {  	(tag) =	ssettag $0x1  }
0x1: {  	s0 =	rddreg [dreg:$0x0]  }
0x2: {  	s1 =	rddreg [dreg:$0x1]  }
0x3: {  	s3 =	srdreg.scid;
	s4 =	stileid.u32  }
0x4: {  	s2 =	simm.s32 $0x0;
	s3 =	sand.u32 $0x1, s3;
	s4 =	sshll.u32 s4, $0x1  }
0x5: {  	[smem:$0x7FF] =	sst s2;
	s24 =	sadd.s32 $0x83000, s0;
	s22 =	sor.u32 s3, s4  }
0x6: {  	_ =	strace $0x80000047;
	[dreg:$0x3] =	wrdreg s24;
	s25 =	sshll.u32 s22, $0xC  }
0x7: {  	s6 =	rddreg [dreg:$0x3];
	p0 =	sne.s32 s22, $0x1F;
	s5 =	sadd.s32 s0, s25  }
0x8: {  	s7 =	simm.s32 @!p0 $0x0;
	s8 =	simm.s32 @!p0 $0x10000;
	[dreg:$0x4] =	wrdreg s5  }
0x9: {  	[tilespmem:s8], [sflag:$0x5] =	stream.linear.gather @!p0 [hbm4b:s6+s7], $0x937, $0x38;
	[tilespmem:$0x10980] =	vst v63  }
0xa: {  	s12 =	sor.u32 $0x20000, s25;
	s5 =	rddreg [dreg:$0x4]  }
0xb: {  	[tilespmem:s2], [sflag:$0x1] =	stream.linear.gather [hbm4b:s5+s2], $0x8000, $0x38;
	[tilespmem:$0x10980] =	vst v63  }
0xc: {  	s6 =	simm.s32 $0x8000;
	s7 =	simm.s32 $0x1;
	s5 =	sadd.s32 s0, s12  }
0xd: {  	[tilespmem:s6], [sflag:$0x2] =	stream.linear.gather [hbm4b:s5+s2], $0x8000, $0x38;
	[tilespmem:$0x10980] =	vst v63  }
0xe: {  	_ =	swait.ge [sflag:s7], $0x8000  }
0xf: {  	[sflag:s7] =	ssyncset.done $0x0  }
0x10: {  	s9 =	simm.s32 $0x3;
	s8 =	sadd.s32 s1, s25;
	[sflag:s7] =	ssyncadd.s32 $0xFFFF8000  }
0x11: {  	[hbm4b:s8+s2] =	stream.linear.scatter [tilespmem:s2], [sflag:$0x3], $0x8000, $0x38;
	[tilespmem:$0x10980] =	vst v63  }
0x12: {  	_ =	swait.ge [sflag:s9], $0x8000  }
0x13: {  	s15 =	sor.u32 $0x40000, s25;
	[sflag:s9] =	ssyncset.done $0x0  }
0x14: {  	s11 =	simm.s32 $0x2;
	s10 =	sadd.s32 s0, s15;
	[sflag:s9] =	ssyncadd.s32 $0xFFFF8000  }
0x15: {  	[tilespmem:s2], [sflag:$0x1] =	stream.linear.gather [hbm4b:s10+s2], $0x8000, $0x38;
	[tilespmem:$0x10980] =	vst v63  }
0x16: {  	_ =	swait.ge [sflag:s11], $0x8000  }
0x17: {  	[sflag:s11] =	ssyncset.done $0x0  }
0x18: {  	s13 =	simm.s32 $0x4;
	s12 =	sadd.s32 s1, s12;
	[sflag:s11] =	ssyncadd.s32 $0xFFFF8000  }
0x19: {  	[hbm4b:s12+s2] =	stream.linear.scatter [tilespmem:s6], [sflag:$0x4], $0x8000, $0x38;
	[tilespmem:$0x10980] =	vst v63  }
0x1a: {  	_ =	swait.ge [sflag:s13], $0x8000  }
0x1b: {  	s17 =	sor.u32 $0x60000, s25;
	[sflag:s13] =	ssyncset.done $0x0  }
0x1c: {  	s14 =	sadd.s32 s0, s17;
	[sflag:s13] =	ssyncadd.s32 $0xFFFF8000  }
0x1d: {  	[tilespmem:s6], [sflag:$0x2] =	stream.linear.gather [hbm4b:s14+s2], $0x8000, $0x38;
	[tilespmem:$0x10980] =	vst v63  }
0x1e: {  	_ =	swait.ge [sflag:s7], $0x8000  }
0x1f: {  	p1 =	sgt.u32 s22, $0x2;
	[sflag:s7] =	ssyncset.done $0x0  }
0x20: {  	s16 =	simm.s32 @p1 $0x2;
	s15 =	sadd.s32 s1, s15;
	[sflag:s7] =	ssyncadd.s32 $0xFFFF8000  }
0x21: {  	[hbm4b:s15+s2] =	stream.linear.scatter [tilespmem:s2], [sflag:$0x3], $0x8000, $0x38;
	[tilespmem:$0x10980] =	vst v63  }
0x22: {  	_ =	swait.ge @p1 [sflag:s16], $0x8000  }
0x23: {  	s18 =	simm.s32 @p1 $0x3;
	s19 =	simm.s32 @p1 $0x0;
	[sflag:s16] =	ssyncset.done @p1 $0x0  }
0x24: {  	s20 =	simm.s32 @p1 $0x8000;
	s17 =	sadd.s32 s1, s17;
	[sflag:s16] =	ssyncadd.s32 @p1 $0xFFFF8000  }
0x25: {  	[hbm4b:s17+s19] =	stream.linear.scatter @p1 [tilespmem:s20], [sflag:$0x4], $0x8000, $0x38;
	[tilespmem:$0x10980] =	vst v63  }
0x26: {  	_ =	swait.ge @p1 [sflag:s18], $0x8000  }
0x27: {  	[sflag:s18] =	ssyncset.done @p1 $0x0  }
0x28: {  	s21 =	simm.s32 @p1 $0x4;
	[sflag:s18] =	ssyncadd.s32 @p1 $0xFFFF8000  }
0x29: {  	p2 =	sne.s32 @p1 s22, $0x1F;
	_ =	swait.ge @p1 [sflag:s21], $0x8000  }
0x2a: {  	p2 =	por p2, !p1;
	[sflag:s21] =	ssyncset.done @p1 $0x0  }
0x2b: {  	s22 =	simm.s32 @!p2 $0x5;
	[sflag:s21] =	ssyncadd.s32 @p1 $0xFFFF8000  }
0x2c: {  	_ =	swait.ge @!p2 [sflag:s22], $0x937  }
0x2d: {  	s23 =	sadd.s32 $0x83000, s1;
	[sflag:s22] =	ssyncset.done @!p2 $0x0  }
0x2e: {  	s19 =	simm.s32 @!p2 $0x0;
	s20 =	simm.s32 @!p2 $0x10000;
	[sflag:s22] =	ssyncadd.s32 @!p2 $0xFFFFF6C9  }
0x2f: {  	[hbm4b:s23+s19] =	stream.linear.scatter @!p2 [tilespmem:s20], [sflag:$0x5], $0x937, $0x38;
	[tilespmem:$0x10980] =	vst v63  }
0x30: {  	_ =	swait.ge @!p2 [sflag:s22], $0x937  }
0x31: {  	[sflag:s22] =	ssyncset.done @!p2 $0x0  }
0x32: {  	s26 =	simm.s32 @!p1 $0x3;
	[sflag:s22] =	ssyncadd.s32 @!p2 $0xFFFFF6C9  }
0x33: {  	_ =	swait.ge @!p1 [sflag:s26], $0x8000  }
0x34: {  	s4 =	sor.u32 $0x80000, s25;
	s29 =	simm.s32 @!p1 $0x0;
	[sflag:s26] =	ssyncset.done @!p1 $0x0  }
0x35: {  	s30 =	simm.s32 @!p1 $0x2;
	s28 =	sadd.s32 s0, s4;
	[sflag:s26] =	ssyncadd.s32 @!p1 $0xFFFF8000  }
0x36: {  	[tilespmem:s29], [sflag:$0x1] =	stream.linear.gather @!p1 [hbm4b:s28+s29], $0x8000, $0x38;
	[tilespmem:$0x10980] =	vst v63  }
0x37: {  	s24 =	ssub.s32 $0x2, s3;
	s31 =	simm.s32 @!p1 $0x8000;
	_ =	swait.ge @!p1 [sflag:s30], $0x8000  }
0x38: {  	s25 =	sshrl.u32 s24, $0x1;
	s0 =	simm.s32 @!p1 $0x1;
	[sflag:s30] =	ssyncset.done @!p1 $0x0  }
0x39: {  	s1 =	sadd.s32 s1, s4;
	s4 =	ssub.s32 s24, s25;
	[sflag:s30] =	ssyncadd.s32 @!p1 $0xFFFF8000  }
0x3a: {  	[hbm4b:s17+s29] =	stream.linear.scatter @!p1 [tilespmem:s31], [sflag:$0x4], $0x8000, $0x38;
	[tilespmem:$0x10980] =	vst v63  }
0x3b: {  	s4 =	smax.u32 s4, $0x1;
	_ =	swait.ge @!p1 [sflag:s0], $0x8000  }
0x3c: {  	s4 =	sadd.s32 $0xFFFFFFFF, s4;
	[sflag:s0] =	ssyncset.done @!p1 $0x0  }
0x3d: {  	s3 =	simm.s32 @!p1 $0x4;
	p3 =	sne.s32 s4, $0x0;
	[sflag:s0] =	ssyncadd.s32 @!p1 $0xFFFF8000  }
0x3e: {  	[hbm4b:s1+s29] =	stream.linear.scatter @!p1 [tilespmem:s29], [sflag:$0x3], $0x8000, $0x38;
	[tilespmem:$0x10980] =	vst v63  }
.Ltmp0:
0x3f: {  	_ =	swait.ge @!p1 [sflag:s3], $0x8000;
	(pc) =	sbr.rel @!p3 .LBB2_2-.Ltmp0, $4  }
0x40: {  	[sflag:s3] =	ssyncset.done @!p1 $0x0  }
0x41: {  	[sflag:s3] =	ssyncadd.s32 @!p1 $0xFFFF8000  }
0x42: {  	_ =	swait.ge @!p1 [sflag:s26], $0x8000  }
0x43: {  	[sflag:s26] =	ssyncset.done @!p1 $0x0  }
.LBB2_1:
0x44: {  	s19 =	rddreg [dreg:$0x3]  }
0x45: {  	[sflag:s26] =	ssyncadd.s32 @!p1 $0xFFFF8000;
	s24 =	simm.s32 @!p0 $0x0;
	s25 =	simm.s32 @!p0 $0x10000  }
0x46: {  	[tilespmem:s25], [sflag:$0x5] =	stream.linear.gather @!p0 [hbm4b:s19+s24], $0x937, $0x38;
	[tilespmem:$0x10980] =	vst v63  }
0x47: {  	s20 =	rddreg [dreg:$0x4]  }
0x48: {  	[tilespmem:s2], [sflag:$0x1] =	stream.linear.gather [hbm4b:s20+s2], $0x8000, $0x38;
	[tilespmem:$0x10980] =	vst v63  }
0x49: {  	_ = 	snop  }
0x4a: {  	[tilespmem:s6], [sflag:$0x2] =	stream.linear.gather [hbm4b:s5+s2], $0x8000, $0x38;
	[tilespmem:$0x10980] =	vst v63  }
0x4b: {  	_ =	swait.ge [sflag:s7], $0x8000  }
0x4c: {  	[sflag:s7] =	ssyncset.done $0x0  }
0x4d: {  	[sflag:s7] =	ssyncadd.s32 $0xFFFF8000  }
0x4e: {  	[hbm4b:s8+s2] =	stream.linear.scatter [tilespmem:s2], [sflag:$0x3], $0x8000, $0x38;
	[tilespmem:$0x10980] =	vst v63  }
0x4f: {  	_ =	swait.ge [sflag:s9], $0x8000  }
0x50: {  	[sflag:s9] =	ssyncset.done $0x0  }
0x51: {  	[sflag:s9] =	ssyncadd.s32 $0xFFFF8000  }
0x52: {  	[tilespmem:s2], [sflag:$0x1] =	stream.linear.gather [hbm4b:s10+s2], $0x8000, $0x38;
	[tilespmem:$0x10980] =	vst v63  }
0x53: {  	_ =	swait.ge [sflag:s11], $0x8000  }
0x54: {  	[sflag:s11] =	ssyncset.done $0x0  }
0x55: {  	[sflag:s11] =	ssyncadd.s32 $0xFFFF8000  }
0x56: {  	[hbm4b:s12+s2] =	stream.linear.scatter [tilespmem:s6], [sflag:$0x4], $0x8000, $0x38;
	[tilespmem:$0x10980] =	vst v63  }
0x57: {  	_ =	swait.ge [sflag:s13], $0x8000  }
0x58: {  	[sflag:s13] =	ssyncset.done $0x0  }
0x59: {  	[sflag:s13] =	ssyncadd.s32 $0xFFFF8000  }
0x5a: {  	[tilespmem:s6], [sflag:$0x2] =	stream.linear.gather [hbm4b:s14+s2], $0x8000, $0x38;
	[tilespmem:$0x10980] =	vst v63  }
0x5b: {  	_ =	swait.ge [sflag:s7], $0x8000  }
0x5c: {  	[sflag:s7] =	ssyncset.done $0x0  }
0x5d: {  	[sflag:s7] =	ssyncadd.s32 $0xFFFF8000  }
0x5e: {  	[hbm4b:s15+s2] =	stream.linear.scatter [tilespmem:s2], [sflag:$0x3], $0x8000, $0x38;
	[tilespmem:$0x10980] =	vst v63  }
0x5f: {  	_ =	swait.ge @p1 [sflag:s16], $0x8000  }
0x60: {  	[sflag:s16] =	ssyncset.done @p1 $0x0  }
0x61: {  	s19 =	simm.s32 @p1 $0x0;
	s20 =	simm.s32 @p1 $0x8000;
	[sflag:s16] =	ssyncadd.s32 @p1 $0xFFFF8000  }
0x62: {  	[hbm4b:s17+s19] =	stream.linear.scatter @p1 [tilespmem:s20], [sflag:$0x4], $0x8000, $0x38;
	[tilespmem:$0x10980] =	vst v63  }
0x63: {  	_ =	swait.ge @p1 [sflag:s18], $0x8000  }
0x64: {  	[sflag:s18] =	ssyncset.done @p1 $0x0  }
0x65: {  	[sflag:s18] =	ssyncadd.s32 @p1 $0xFFFF8000  }
0x66: {  	_ =	swait.ge @p1 [sflag:s21], $0x8000  }
0x67: {  	[sflag:s21] =	ssyncset.done @p1 $0x0  }
0x68: {  	[sflag:s21] =	ssyncadd.s32 @p1 $0xFFFF8000  }
0x69: {  	_ =	swait.ge @!p2 [sflag:s22], $0x937  }
0x6a: {  	[sflag:s22] =	ssyncset.done @!p2 $0x0  }
0x6b: {  	s19 =	simm.s32 @!p2 $0x0;
	s20 =	simm.s32 @!p2 $0x10000;
	[sflag:s22] =	ssyncadd.s32 @!p2 $0xFFFFF6C9  }
0x6c: {  	[hbm4b:s23+s19] =	stream.linear.scatter @!p2 [tilespmem:s20], [sflag:$0x5], $0x937, $0x38;
	[tilespmem:$0x10980] =	vst v63  }
0x6d: {  	_ =	swait.ge @!p2 [sflag:s22], $0x937  }
0x6e: {  	[sflag:s22] =	ssyncset.done @!p2 $0x0  }
0x6f: {  	[sflag:s22] =	ssyncadd.s32 @!p2 $0xFFFFF6C9  }
0x70: {  	_ =	swait.ge @!p1 [sflag:s26], $0x8000  }
0x71: {  	[sflag:s26] =	ssyncset.done @!p1 $0x0  }
0x72: {  	[sflag:s26] =	ssyncadd.s32 @!p1 $0xFFFF8000  }
0x73: {  	[tilespmem:s29], [sflag:$0x1] =	stream.linear.gather @!p1 [hbm4b:s28+s29], $0x8000, $0x38;
	[tilespmem:$0x10980] =	vst v63  }
0x74: {  	_ =	swait.ge @!p1 [sflag:s30], $0x8000  }
0x75: {  	[sflag:s30] =	ssyncset.done @!p1 $0x0  }
0x76: {  	[sflag:s30] =	ssyncadd.s32 @!p1 $0xFFFF8000  }
0x77: {  	[hbm4b:s17+s29] =	stream.linear.scatter @!p1 [tilespmem:s31], [sflag:$0x4], $0x8000, $0x38;
	[tilespmem:$0x10980] =	vst v63  }
0x78: {  	_ =	swait.ge @!p1 [sflag:s0], $0x8000  }
0x79: {  	s4 =	sadd.s32 $0xFFFFFFFF, s4;
	[sflag:s0] =	ssyncset.done @!p1 $0x0  }
0x7a: {  	p3 =	sne.s32 s4, $0x0;
	[sflag:s0] =	ssyncadd.s32 @!p1 $0xFFFF8000  }
0x7b: {  	[hbm4b:s1+s29] =	stream.linear.scatter @!p1 [tilespmem:s29], [sflag:$0x3], $0x8000, $0x38;
	[tilespmem:$0x10980] =	vst v63  }
.Ltmp1:
0x7c: {  	_ =	swait.ge @!p1 [sflag:s3], $0x8000;
	(pc) =	sbr.rel @p3 .LBB2_1-.Ltmp1, $4  }
0x7d: {  	[sflag:s3] =	ssyncset.done @!p1 $0x0  }
0x7e: {  	[sflag:s3] =	ssyncadd.s32 @!p1 $0xFFFF8000  }
0x7f: {  	_ =	swait.ge @!p1 [sflag:s26], $0x8000  }
0x80: {  	[sflag:s26] =	ssyncset.done @!p1 $0x0  }
.LBB2_2:
0x81: {  	[sflag:s26] =	ssyncadd.s32 @!p1 $0xFFFF8000  }
0x82: {  	_ =	sfence.sel $0x180000  }
0x83: {  	[bflag:$0x0] =	sbarrier.arrive $0xFFFF  }
0x84: {  	_ =	strace $0x90000047  }
0x85: {  	s0 =	stileid.u32;
	[bflag:$0x2] =	sbarrier.arrive $0xFFFF  }
0x86: {  	p0 =	sne.s32 s0, $0x0;
	s0 =	rddreg [dreg:$0x2]  }
0x87: {  	s0 =	sadd.s32 @!p0 $0x100000, s0  }
0x88: {  	[sflag:s0] =	ssyncadd.tile.s32 @!p0 $0x1;
	_ =	shalt  }
.Lfunc_end2:
_tile_overlayer_lowered:
.L_overlay_start_2:
0x89: {  	(tag) =	ssettag $0x2  }
0x8a: {  	s0 =	rddreg [dreg:$0x0];
	s2 =	stileid.u32  }
0x8b: {  	s1 =	rddreg [dreg:$0x1];
	p0 =	sne.s32 s2, $0x0  }
0x8c: {  	s3 =	rddreg [dreg:$0x2];
	[bflag:$0x3] =	sbarrier.arrive $0xFFFF;
	s2 =	simm.s32 @!p0 $0x1C06  }
0x8d: {  	[timem:s3], [sflag:s2] =	dma.local @!p0 [hbm:s0], s1  }
0x8e: {  	s0 =	simm.s32 @!p0 $0x6  }
0x8f: {  	_ =	swait.ge @!p0 [sflag:s0], s1  }
0x90: {  	s1 =	ssub.s32 @!p0 $0x0, s1;
	[sflag:s0] =	ssyncset.done @!p0 $0x0  }
0x91: {  	[sflag:s0] =	ssyncadd.s32 @!p0 s1  }
0x92: {  	[bflag:$0x3] =	sbarrier.arrive $0xFFFF  }
0x93: {  	_ =	shalt  }

</sc_bundles>
